<compile_context>
chip_gen: v7x
topology: tpu7x:2x2x1
jax: 0.10.2.dev20260603
libtpu: 0.0.44.dev20260713+nightly
codegen_flags: <defaults>
</compile_context>

<pallas_src>
import functools

import jax
import jax.numpy as jnp
from jax import lax
from jax.experimental import pallas as pl
from jax.experimental.pallas import tpu as pltpu
from jax.experimental.pallas import tpu_sc as plsc

_NC = 2
_NS = 16
_NW = _NC * _NS
_L = 16
_H = 64


def _make_agg(n, d, nb, k):
  rows_per_tile = -(-n // (_NS * k)) * k
  n_pad = rows_per_tile * _NS
  nz = rows_per_tile // _H
  mesh = plsc.VectorSubcoreMesh(core_axis_name="c", subcore_axis_name="s")

  @functools.partial(
      pl.kernel,
      out_type=jax.ShapeDtypeStruct((_NC, n_pad, d), jnp.float32),
      mesh=mesh,
      scratch_types=[
          pltpu.VMEM((nb, k), jnp.int32),
          pltpu.VMEM((nb, k), jnp.int32),
          pltpu.VMEM((nb, k), jnp.float32),
          pltpu.VMEM((_H, d), jnp.float32),
          pltpu.VMEM((_H, d), jnp.float32),
          pltpu.VMEM_SHARED((n_pad, d), jnp.float32),
          pltpu.SemaphoreType.DMA,
          pltpu.SemaphoreType.DMA,
      ],
  )
  def agg(x_hbm, row_hbm, col_hbm, w_hbm, out_hbm,
          colv, rowv, wv, r0, r1, acc, g0, g1):
    c = lax.axis_index("c")
    s = lax.axis_index("s")
    wid = c * _NS + s

    pltpu.sync_copy(col_hbm.at[wid], colv)
    pltpu.sync_copy(row_hbm.at[wid], rowv)
    pltpu.sync_copy(w_hbm.at[wid], wv)

    def start_gather(b, off, buf, sem):
      pltpu.async_copy(x_hbm.at[colv.at[b, pl.ds(off, _H)]], buf, sem)

    def wait_gather(b, off, buf, sem):
      pltpu.make_async_copy(
          x_hbm.at[colv.at[b, pl.ds(off, _H)]], buf, sem).wait()

    def scale(buf, b, off):
      for g in range(_H // _L):
        wvec = wv[b, pl.ds(off + g * _L, _L)]
        for j16 in range(_L):
          w = wvec[j16]
          j = g * _L + j16
          for t in range(d // _L):
            buf[j, pl.ds(t * _L, _L)] = buf[j, pl.ds(t * _L, _L)] * w

    def scatter(buf, b, off):
      pltpu.sync_copy(buf, acc.at[rowv.at[b, pl.ds(off, _H)]], add=True)

    zero = jnp.zeros((_L,), jnp.float32)

    def zstore(i, _):
      r = i // (d // _L)
      col0 = (i % (d // _L)) * _L
      r0[r, pl.ds(col0, _L)] = zero
      return 0

    lax.fori_loop(0, _H * (d // _L), zstore, 0)
    for t in range(nz):
      pltpu.sync_copy(r0, acc.at[pl.ds(s * rows_per_tile + t * _H, _H)])
    plsc.subcore_barrier()

    start_gather(0, 0, r0, g0)

    def body(b, _):
      start_gather(b, _H, r1, g1)
      wait_gather(b, 0, r0, g0)

      @pl.when(b + 1 < nb)
      def _():
        start_gather(b + 1, 0, r0, g0)

      wait_gather(b, _H, r1, g1)
      return 0

    lax.fori_loop(0, nb, body, 0)

    plsc.subcore_barrier()
    pltpu.sync_copy(acc.at[pl.ds(s * rows_per_tile, rows_per_tile)],
                    out_hbm.at[c, pl.ds(s * rows_per_tile, rows_per_tile)])

  return agg


_DN = (((1,), (1,)), ((), ()))


def _dense_r(x, W_r, b8):
  n, d = x.shape
  bn = 2000

  def body(x_ref, wr_ref, b_ref, o_ref):
    o_ref[...] = lax.dot_general(
        x_ref[...], wr_ref[...], _DN,
        preferred_element_type=jnp.float32,
        precision=lax.Precision.HIGHEST) + b_ref[0:1, :]

  return pl.pallas_call(
      body,
      grid=(n // bn,),
      in_specs=[
          pl.BlockSpec((bn, d), lambda i: (i, 0)),
          pl.BlockSpec((d, d), lambda i: (0, 0)),
          pl.BlockSpec((8, d), lambda i: (0, 0)),
      ],
      out_specs=pl.BlockSpec((bn, d), lambda i: (i, 0)),
      out_shape=jax.ShapeDtypeStruct((n, d), jnp.float32),
  )(x, W_r, b8)


def _dense_l(p, xr, W_l):
  n, d = xr.shape
  bn = 2000

  def body(p_ref, xr_ref, wl_ref, o_ref):
    agg = p_ref[0] + p_ref[1]
    o_ref[...] = lax.dot_general(
        agg, wl_ref[...], _DN,
        preferred_element_type=jnp.float32,
        precision=lax.Precision.HIGHEST) + xr_ref[...]

  return pl.pallas_call(
      body,
      grid=(n // bn,),
      in_specs=[
          pl.BlockSpec((2, bn, d), lambda i: (0, i, 0)),
          pl.BlockSpec((bn, d), lambda i: (i, 0)),
          pl.BlockSpec((d, d), lambda i: (0, 0)),
      ],
      out_specs=pl.BlockSpec((bn, d), lambda i: (i, 0)),
      out_shape=jax.ShapeDtypeStruct((n, d), jnp.float32),
  )(p, xr, W_l)


_K = 128


def kernel(x, edge_index, edge_weight, W_l, b_l, W_r):
  n, d = x.shape
  e = edge_weight.shape[0]
  nb = -(-e // (_NW * _K))
  pad = _NW * nb * _K - e
  row = jnp.pad(edge_index[0].astype(jnp.int32), (0, pad)).reshape(_NW, nb, _K)
  col = jnp.pad(edge_index[1].astype(jnp.int32), (0, pad)).reshape(_NW, nb, _K)
  w2 = jnp.pad(edge_weight, (0, pad)).reshape(_NW, nb, _K)
  b8 = jnp.broadcast_to(b_l.reshape(1, d), (8, d))
  xr = _dense_r(x, W_r, b8)
  p = _make_agg(n, d, nb, _K)(x, row, col, w2)
  return _dense_l(p, xr, W_l)

# --- scband reference (transcript-rebuilt; emitter-appended) ---
"""Pipeline reference for scband-sageconv-88244398064425 (READ-ONLY COPY).

The authoritative reference and input builder live on the scoring server;
editing this copy changes nothing except your own understanding.
"""

import jax, jax.numpy as jnp
import numpy as np

N = 10000
E = 320000
D_IN = 128
D_OUT = 128

def _glorot(key, shape):
    fan_in, fan_out = shape[1], shape[0]
    limit = jnp.sqrt(6.0 / (fan_in + fan_out))
    return jax.random.uniform(key, shape, minval=-limit, maxval=limit, dtype=jnp.float32)

def setup_inputs(seed: int = 0) -> dict:
    key = jax.random.key(seed)
    k1, k2, k3, k4, k5 = jax.random.split(key, 5)
    x = jax.random.normal(k1, (N, D_IN), dtype=jnp.float32)
    edge_index = jax.random.randint(k2, (2, E), 0, N, dtype=jnp.int64)
    edge_weight = jax.random.uniform(k3, (E,), dtype=jnp.float32)
    # parameters (torch Linear convention: W shape [out, in])
    W_l = _glorot(k4, (D_OUT, D_IN))
    b_l = jnp.zeros((D_OUT,), dtype=jnp.float32)
    W_r = _glorot(k5, (D_OUT, D_IN))
    return {"x": x, "edge_index": edge_index, "edge_weight": edge_weight,
            "W_l": W_l, "b_l": b_l, "W_r": W_r}

def reference(x, edge_index, edge_weight, W_l, b_l, W_r):
    # out_l = graph @ x  (sparse matmul: weighted scatter-add of neighbor feats)
    row = edge_index[0]
    col = edge_index[1]
    msgs = edge_weight[:, None] * jnp.take(x, col, axis=0)
    out_l = jnp.zeros((x.shape[0], x.shape[1]), dtype=x.dtype).at[row].add(msgs)
    # lin_l (with bias) and lin_r (no bias)
    out_l = out_l @ W_l.T + b_l
    out_r = x @ W_r.T
    return out_l + out_r

if __name__ == "__main__":
    import jax
    _d = setup_inputs()
    print(jax.jit(kernel)(*tuple(_d.values())))

</pallas_src>

<mosaic_0001>
#map = affine_map<(d0, d1) -> (0, 0)>
#map1 = affine_map<(d0, d1) -> (0, 0, 0)>
module attributes {stable_mosaic.version = 14 : i64} {
  func.func @agg(%arg0: i32, %arg1: i32, %arg2: memref<10000x128xf32, #tpu.memory_space<hbm>>, %arg3: memref<32x79x128xi32, #tpu.memory_space<hbm>>, %arg4: memref<32x79x128xi32, #tpu.memory_space<hbm>>, %arg5: memref<32x79x128xf32, #tpu.memory_space<hbm>>, %arg6: memref<2x10240x128xf32, #tpu.memory_space<hbm>>, %arg7: memref<79x128xi32, #tpu.memory_space<vmem>>, %arg8: memref<79x128xi32, #tpu.memory_space<vmem>>, %arg9: memref<79x128xf32, #tpu.memory_space<vmem>>, %arg10: memref<64x128xf32, #tpu.memory_space<vmem>>, %arg11: memref<64x128xf32, #tpu.memory_space<vmem>>, %arg12: memref<10240x128xf32, #tpu.memory_space<vmem_shared>>, %arg13: memref<!tpu.dma_semaphore, #tpu.memory_space<semaphore_mem>>, %arg14: memref<!tpu.dma_semaphore, #tpu.memory_space<semaphore_mem>>) attributes {dimension_semantics = [#tpu.dimension_semantics<core_parallel>, #tpu.dimension_semantics<subcore_parallel>], iteration_bounds = array<i64: 2, 16>, scalar_prefetch = 0 : i64, scratch_operands = 8 : i64, tpu.core_type = #tpu.core_type<sc_vector_subcore>, window_params = [{transform_indices = #map}, {transform_indices = #map1}, {transform_indices = #map1}, {transform_indices = #map1}, {transform_indices = #map1}]} {
    %mul3A = arith.constant 16 : i32
    %mul3A_0 = arith.muli %arg0, %mul3A : i32
    %add3A = arith.addi %mul3A_0, %arg1 : i32
    "tpu.region"() ({
      %run_scoped3A = tpu.sem_alloc : memref<!tpu.dma_semaphore, #tpu.memory_space<semaphore_mem>>
      %dma_start3A_66 = arith.constant 0 : i32
      %dma_start3A_67 = arith.constant 0 : i32
      %dma_start3A_68 = tpu.memref_slice %arg4[%add3A, %dma_start3A_66, %dma_start3A_67] : memref<32x79x128xi32, #tpu.memory_space<hbm>> -> memref<1x79x128xi32, #tpu.memory_space<hbm>>
      %dma_start3A_69 = tpu.memref_squeeze %dma_start3A_68 : memref<1x79x128xi32, #tpu.memory_space<hbm>> -> memref<79x128xi32, #tpu.memory_space<hbm>>
      %dma_start3A_70 = arith.constant 0 : i32
      %dma_start3A_71 = arith.constant 0 : i32
      %dma_start3A_72 = tpu.memref_slice %arg4[%add3A, %dma_start3A_70, %dma_start3A_71] : memref<32x79x128xi32, #tpu.memory_space<hbm>> -> memref<1x79x128xi32, #tpu.memory_space<hbm>>
      %dma_start3A_73 = tpu.memref_squeeze %dma_start3A_72 : memref<1x79x128xi32, #tpu.memory_space<hbm>> -> memref<79x128xi32, #tpu.memory_space<hbm>>
      tpu.enqueue_dma source(%dma_start3A_73 : memref<79x128xi32, #tpu.memory_space<hbm>>) target(%arg7 : memref<79x128xi32, #tpu.memory_space<vmem>>) target_semaphore(%run_scoped3A : memref<!tpu.dma_semaphore, #tpu.memory_space<semaphore_mem>>)
      %dma_wait3A = arith.constant 0 : i32
      %dma_wait3A_74 = arith.constant 0 : i32
      %dma_wait3A_75 = tpu.memref_slice %arg4[%add3A, %dma_wait3A, %dma_wait3A_74] : memref<32x79x128xi32, #tpu.memory_space<hbm>> -> memref<1x79x128xi32, #tpu.memory_space<hbm>>
      %dma_wait3A_76 = tpu.memref_squeeze %dma_wait3A_75 : memref<1x79x128xi32, #tpu.memory_space<hbm>> -> memref<79x128xi32, #tpu.memory_space<hbm>>
      %dma_wait3A_77 = arith.constant 0 : i32
      %dma_wait3A_78 = arith.constant 0 : i32
      %dma_wait3A_79 = tpu.memref_slice %arg4[%add3A, %dma_wait3A_77, %dma_wait3A_78] : memref<32x79x128xi32, #tpu.memory_space<hbm>> -> memref<1x79x128xi32, #tpu.memory_space<hbm>>
      %dma_wait3A_80 = tpu.memref_squeeze %dma_wait3A_79 : memref<1x79x128xi32, #tpu.memory_space<hbm>> -> memref<79x128xi32, #tpu.memory_space<hbm>>
      tpu.wait_dma2 semaphore(%run_scoped3A : memref<!tpu.dma_semaphore, #tpu.memory_space<semaphore_mem>>) src(%dma_wait3A_80 : memref<79x128xi32, #tpu.memory_space<hbm>>) dst(%arg7 : memref<79x128xi32, #tpu.memory_space<vmem>>)
      tpu.yield
    }) : () -> ()
    "tpu.region"() ({
      %run_scoped3A = tpu.sem_alloc : memref<!tpu.dma_semaphore, #tpu.memory_space<semaphore_mem>>
      %dma_start3A_66 = arith.constant 0 : i32
      %dma_start3A_67 = arith.constant 0 : i32
      %dma_start3A_68 = tpu.memref_slice %arg3[%add3A, %dma_start3A_66, %dma_start3A_67] : memref<32x79x128xi32, #tpu.memory_space<hbm>> -> memref<1x79x128xi32, #tpu.memory_space<hbm>>
      %dma_start3A_69 = tpu.memref_squeeze %dma_start3A_68 : memref<1x79x128xi32, #tpu.memory_space<hbm>> -> memref<79x128xi32, #tpu.memory_space<hbm>>
      %dma_start3A_70 = arith.constant 0 : i32
      %dma_start3A_71 = arith.constant 0 : i32
      %dma_start3A_72 = tpu.memref_slice %arg3[%add3A, %dma_start3A_70, %dma_start3A_71] : memref<32x79x128xi32, #tpu.memory_space<hbm>> -> memref<1x79x128xi32, #tpu.memory_space<hbm>>
      %dma_start3A_73 = tpu.memref_squeeze %dma_start3A_72 : memref<1x79x128xi32, #tpu.memory_space<hbm>> -> memref<79x128xi32, #tpu.memory_space<hbm>>
      tpu.enqueue_dma source(%dma_start3A_73 : memref<79x128xi32, #tpu.memory_space<hbm>>) target(%arg8 : memref<79x128xi32, #tpu.memory_space<vmem>>) target_semaphore(%run_scoped3A : memref<!tpu.dma_semaphore, #tpu.memory_space<semaphore_mem>>)
      %dma_wait3A = arith.constant 0 : i32
      %dma_wait3A_74 = arith.constant 0 : i32
      %dma_wait3A_75 = tpu.memref_slice %arg3[%add3A, %dma_wait3A, %dma_wait3A_74] : memref<32x79x128xi32, #tpu.memory_space<hbm>> -> memref<1x79x128xi32, #tpu.memory_space<hbm>>
      %dma_wait3A_76 = tpu.memref_squeeze %dma_wait3A_75 : memref<1x79x128xi32, #tpu.memory_space<hbm>> -> memref<79x128xi32, #tpu.memory_space<hbm>>
      %dma_wait3A_77 = arith.constant 0 : i32
      %dma_wait3A_78 = arith.constant 0 : i32
      %dma_wait3A_79 = tpu.memref_slice %arg3[%add3A, %dma_wait3A_77, %dma_wait3A_78] : memref<32x79x128xi32, #tpu.memory_space<hbm>> -> memref<1x79x128xi32, #tpu.memory_space<hbm>>
      %dma_wait3A_80 = tpu.memref_squeeze %dma_wait3A_79 : memref<1x79x128xi32, #tpu.memory_space<hbm>> -> memref<79x128xi32, #tpu.memory_space<hbm>>
      tpu.wait_dma2 semaphore(%run_scoped3A : memref<!tpu.dma_semaphore, #tpu.memory_space<semaphore_mem>>) src(%dma_wait3A_80 : memref<79x128xi32, #tpu.memory_space<hbm>>) dst(%arg8 : memref<79x128xi32, #tpu.memory_space<vmem>>)
      tpu.yield
    }) : () -> ()
    "tpu.region"() ({
      %run_scoped3A = tpu.sem_alloc : memref<!tpu.dma_semaphore, #tpu.memory_space<semaphore_mem>>
      %dma_start3A_66 = arith.constant 0 : i32
      %dma_start3A_67 = arith.constant 0 : i32
      %dma_start3A_68 = tpu.memref_slice %arg5[%add3A, %dma_start3A_66, %dma_start3A_67] : memref<32x79x128xf32, #tpu.memory_space<hbm>> -> memref<1x79x128xf32, #tpu.memory_space<hbm>>
      %dma_start3A_69 = tpu.memref_squeeze %dma_start3A_68 : memref<1x79x128xf32, #tpu.memory_space<hbm>> -> memref<79x128xf32, #tpu.memory_space<hbm>>
      %dma_start3A_70 = arith.constant 0 : i32
      %dma_start3A_71 = arith.constant 0 : i32
      %dma_start3A_72 = tpu.memref_slice %arg5[%add3A, %dma_start3A_70, %dma_start3A_71] : memref<32x79x128xf32, #tpu.memory_space<hbm>> -> memref<1x79x128xf32, #tpu.memory_space<hbm>>
      %dma_start3A_73 = tpu.memref_squeeze %dma_start3A_72 : memref<1x79x128xf32, #tpu.memory_space<hbm>> -> memref<79x128xf32, #tpu.memory_space<hbm>>
      tpu.enqueue_dma source(%dma_start3A_73 : memref<79x128xf32, #tpu.memory_space<hbm>>) target(%arg9 : memref<79x128xf32, #tpu.memory_space<vmem>>) target_semaphore(%run_scoped3A : memref<!tpu.dma_semaphore, #tpu.memory_space<semaphore_mem>>)
      %dma_wait3A = arith.constant 0 : i32
      %dma_wait3A_74 = arith.constant 0 : i32
      %dma_wait3A_75 = tpu.memref_slice %arg5[%add3A, %dma_wait3A, %dma_wait3A_74] : memref<32x79x128xf32, #tpu.memory_space<hbm>> -> memref<1x79x128xf32, #tpu.memory_space<hbm>>
      %dma_wait3A_76 = tpu.memref_squeeze %dma_wait3A_75 : memref<1x79x128xf32, #tpu.memory_space<hbm>> -> memref<79x128xf32, #tpu.memory_space<hbm>>
      %dma_wait3A_77 = arith.constant 0 : i32
      %dma_wait3A_78 = arith.constant 0 : i32
      %dma_wait3A_79 = tpu.memref_slice %arg5[%add3A, %dma_wait3A_77, %dma_wait3A_78] : memref<32x79x128xf32, #tpu.memory_space<hbm>> -> memref<1x79x128xf32, #tpu.memory_space<hbm>>
      %dma_wait3A_80 = tpu.memref_squeeze %dma_wait3A_79 : memref<1x79x128xf32, #tpu.memory_space<hbm>> -> memref<79x128xf32, #tpu.memory_space<hbm>>
      tpu.wait_dma2 semaphore(%run_scoped3A : memref<!tpu.dma_semaphore, #tpu.memory_space<semaphore_mem>>) src(%dma_wait3A_80 : memref<79x128xf32, #tpu.memory_space<hbm>>) dst(%arg9 : memref<79x128xf32, #tpu.memory_space<vmem>>)
      tpu.yield
    }) : () -> ()
    %broadcast_in_dim3A = arith.constant 0.000000e+00 : f32
    %broadcast_in_dim3A_1 = vector.broadcast %broadcast_in_dim3A : f32 to vector<16xf32>
    %scan3A = arith.constant 0 : i32
    %scan3A_2 = arith.constant 0 : i32
    %scan3A_3 = arith.constant 512 : i32
    %scan3A_4 = arith.addi %scan3A_2, %scan3A_3 : i32
    %scan3A_5 = arith.constant 1 : i32
    %scan3A_6 = scf.for %scan3A_66 = %scan3A_2 to %scan3A_4 step %scan3A_5 iter_args(%scan3A_67 = %scan3A) -> (i32)  : i32 {
      %jit3A = arith.constant 8 : i32
      %div3A = arith.divsi %scan3A_66, %jit3A : i32
      %sign3A = arith.constant 0 : i32
      %sign3A_68 = arith.cmpi sgt, %scan3A_66, %sign3A : i32
      %sign3A_69 = arith.extui %sign3A_68 : i1 to i32
      %sign3A_70 = arith.constant 0 : i32
      %sign3A_71 = arith.cmpi slt, %scan3A_66, %sign3A_70 : i32
      %sign3A_72 = arith.extui %sign3A_71 : i1 to i32
      %sign3A_73 = arith.subi %sign3A_69, %sign3A_72 : i32
      %sign3A_74 = arith.constant 0 : i32
      %sign3A_75 = arith.cmpi sgt, %jit3A, %sign3A_74 : i32
      %sign3A_76 = arith.extui %sign3A_75 : i1 to i32
      %sign3A_77 = arith.constant 0 : i32
      %sign3A_78 = arith.cmpi slt, %jit3A, %sign3A_77 : i32
      %sign3A_79 = arith.extui %sign3A_78 : i1 to i32
      %sign3A_80 = arith.subi %sign3A_76, %sign3A_79 : i32
      %ne3A = arith.cmpi ne, %sign3A_73, %sign3A_80 : i32
      %rem3A = arith.remsi %scan3A_66, %jit3A : i32
      %ne3A_81 = arith.constant 0 : i32
      %ne3A_82 = arith.cmpi ne, %rem3A, %ne3A_81 : i32
      %and3A = arith.andi %ne3A, %ne3A_82 : i1
      %sub3A = arith.constant 1 : i32
      %sub3A_83 = arith.subi %div3A, %sub3A : i32
      %select_n3A = arith.select %and3A, %sub3A_83, %div3A : i32
      %jit3A_84 = arith.constant 8 : i32
      %eq3A = arith.constant 0 : i32
      %eq3A_85 = arith.cmpi eq, %jit3A_84, %eq3A : i32
      %jit3A_86 = arith.constant 1 : i32
      %select_n3A_87 = arith.select %eq3A_85, %jit3A_86, %jit3A_84 : i32
      %rem3A_88 = arith.remsi %scan3A_66, %select_n3A_87 : i32
      %ne3A_89 = arith.constant 0 : i32
      %ne3A_90 = arith.cmpi ne, %rem3A_88, %ne3A_89 : i32
      %lt3A = arith.constant 0 : i32
      %lt3A_91 = arith.cmpi slt, %rem3A_88, %lt3A : i32
      %lt3A_92 = arith.constant 0 : i32
      %lt3A_93 = arith.cmpi slt, %select_n3A_87, %lt3A_92 : i32
      %ne3A_94 = arith.xori %lt3A_91, %lt3A_93 : i1
      %and3A_95 = arith.andi %ne3A_94, %ne3A_90 : i1
      %add3A_96 = arith.addi %rem3A_88, %select_n3A_87 : i32
      %select_n3A_97 = arith.select %and3A_95, %add3A_96, %rem3A_88 : i32
      %mul3A_98 = arith.constant 16 : i32
      %mul3A_99 = arith.muli %select_n3A_97, %mul3A_98 : i32
      %swap3A = arith.index_cast %select_n3A : i32 to index
      %swap3A_100 = arith.index_cast %mul3A_99 : i32 to index
      %swap3A_101 = tpu.vector_load %arg10[%swap3A, %swap3A_100] {strides = array<i32>} : memref<64x128xf32, #tpu.memory_space<vmem>>, vector<1x16xf32>,
      %swap3A_102 = vector.shape_cast %swap3A_101 : vector<1x16xf32> to vector<16xf32>
      %swap3A_103 = vector.shape_cast %broadcast_in_dim3A_1 : vector<16xf32> to vector<1x16xf32>
      tpu.vector_store %arg10[%swap3A, %swap3A_100], %swap3A_103 {strides = array<i32>} : memref<64x128xf32, #tpu.memory_space<vmem>>, vector<1x16xf32>,
      %scan3A_104 = arith.constant 0 : i32
      scf.yield %scan3A_104 : i32
    }
    %scan3A_7 = arith.constant 512 : i32
    %mul3A_8 = arith.constant 640 : i32
    %mul3A_9 = arith.muli %arg1, %mul3A_8 : i32
    %add3A_10 = arith.constant 0 : i32
    %add3A_11 = arith.addi %mul3A_9, %add3A_10 : i32
    "tpu.region"() ({
      %run_scoped3A = tpu.sem_alloc : memref<!tpu.dma_semaphore, #tpu.memory_space<semaphore_mem>>
      %dma_start3A_66 = arith.constant 0 : i32
      %dma_start3A_67 = tpu.memref_slice %arg12[%add3A_11, %dma_start3A_66] : memref<10240x128xf32, #tpu.memory_space<vmem_shared>> -> memref<64x128xf32, #tpu.memory_space<vmem_shared>>
      %dma_start3A_68 = arith.constant 0 : i32
      %dma_start3A_69 = tpu.memref_slice %arg12[%add3A_11, %dma_start3A_68] : memref<10240x128xf32, #tpu.memory_space<vmem_shared>> -> memref<64x128xf32, #tpu.memory_space<vmem_shared>>
      tpu.enqueue_dma source(%arg10 : memref<64x128xf32, #tpu.memory_space<vmem>>) target(%dma_start3A_69 : memref<64x128xf32, #tpu.memory_space<vmem_shared>>) target_semaphore(%run_scoped3A : memref<!tpu.dma_semaphore, #tpu.memory_space<semaphore_mem>>)
      %dma_wait3A = arith.constant 0 : i32
      %dma_wait3A_70 = tpu.memref_slice %arg12[%add3A_11, %dma_wait3A] : memref<10240x128xf32, #tpu.memory_space<vmem_shared>> -> memref<64x128xf32, #tpu.memory_space<vmem_shared>>
      %dma_wait3A_71 = arith.constant 0 : i32
      %dma_wait3A_72 = tpu.memref_slice %arg12[%add3A_11, %dma_wait3A_71] : memref<10240x128xf32, #tpu.memory_space<vmem_shared>> -> memref<64x128xf32, #tpu.memory_space<vmem_shared>>
      tpu.wait_dma2 semaphore(%run_scoped3A : memref<!tpu.dma_semaphore, #tpu.memory_space<semaphore_mem>>) src(%arg10 : memref<64x128xf32, #tpu.memory_space<vmem>>) dst(%dma_wait3A_72 : memref<64x128xf32, #tpu.memory_space<vmem_shared>>)
      tpu.yield
    }) : () -> ()
    %mul3A_12 = arith.constant 640 : i32
    %mul3A_13 = arith.muli %arg1, %mul3A_12 : i32
    %add3A_14 = arith.constant 64 : i32
    %add3A_15 = arith.addi %mul3A_13, %add3A_14 : i32
    "tpu.region"() ({
      %run_scoped3A = tpu.sem_alloc : memref<!tpu.dma_semaphore, #tpu.memory_space<semaphore_mem>>
      %dma_start3A_66 = arith.constant 0 : i32
      %dma_start3A_67 = tpu.memref_slice %arg12[%add3A_15, %dma_start3A_66] : memref<10240x128xf32, #tpu.memory_space<vmem_shared>> -> memref<64x128xf32, #tpu.memory_space<vmem_shared>>
      %dma_start3A_68 = arith.constant 0 : i32
      %dma_start3A_69 = tpu.memref_slice %arg12[%add3A_15, %dma_start3A_68] : memref<10240x128xf32, #tpu.memory_space<vmem_shared>> -> memref<64x128xf32, #tpu.memory_space<vmem_shared>>
      tpu.enqueue_dma source(%arg10 : memref<64x128xf32, #tpu.memory_space<vmem>>) target(%dma_start3A_69 : memref<64x128xf32, #tpu.memory_space<vmem_shared>>) target_semaphore(%run_scoped3A : memref<!tpu.dma_semaphore, #tpu.memory_space<semaphore_mem>>)
      %dma_wait3A = arith.constant 0 : i32
      %dma_wait3A_70 = tpu.memref_slice %arg12[%add3A_15, %dma_wait3A] : memref<10240x128xf32, #tpu.memory_space<vmem_shared>> -> memref<64x128xf32, #tpu.memory_space<vmem_shared>>
      %dma_wait3A_71 = arith.constant 0 : i32
      %dma_wait3A_72 = tpu.memref_slice %arg12[%add3A_15, %dma_wait3A_71] : memref<10240x128xf32, #tpu.memory_space<vmem_shared>> -> memref<64x128xf32, #tpu.memory_space<vmem_shared>>
      tpu.wait_dma2 semaphore(%run_scoped3A : memref<!tpu.dma_semaphore, #tpu.memory_space<semaphore_mem>>) src(%arg10 : memref<64x128xf32, #tpu.memory_space<vmem>>) dst(%dma_wait3A_72 : memref<64x128xf32, #tpu.memory_space<vmem_shared>>)
      tpu.yield
    }) : () -> ()
    %mul3A_16 = arith.constant 640 : i32
    %mul3A_17 = arith.muli %arg1, %mul3A_16 : i32
    %add3A_18 = arith.constant 128 : i32
    %add3A_19 = arith.addi %mul3A_17, %add3A_18 : i32
    "tpu.region"() ({
      %run_scoped3A = tpu.sem_alloc : memref<!tpu.dma_semaphore, #tpu.memory_space<semaphore_mem>>
      %dma_start3A_66 = arith.constant 0 : i32
      %dma_start3A_67 = tpu.memref_slice %arg12[%add3A_19, %dma_start3A_66] : memref<10240x128xf32, #tpu.memory_space<vmem_shared>> -> memref<64x128xf32, #tpu.memory_space<vmem_shared>>
      %dma_start3A_68 = arith.constant 0 : i32
      %dma_start3A_69 = tpu.memref_slice %arg12[%add3A_19, %dma_start3A_68] : memref<10240x128xf32, #tpu.memory_space<vmem_shared>> -> memref<64x128xf32, #tpu.memory_space<vmem_shared>>
      tpu.enqueue_dma source(%arg10 : memref<64x128xf32, #tpu.memory_space<vmem>>) target(%dma_start3A_69 : memref<64x128xf32, #tpu.memory_space<vmem_shared>>) target_semaphore(%run_scoped3A : memref<!tpu.dma_semaphore, #tpu.memory_space<semaphore_mem>>)
      %dma_wait3A = arith.constant 0 : i32
      %dma_wait3A_70 = tpu.memref_slice %arg12[%add3A_19, %dma_wait3A] : memref<10240x128xf32, #tpu.memory_space<vmem_shared>> -> memref<64x128xf32, #tpu.memory_space<vmem_shared>>
      %dma_wait3A_71 = arith.constant 0 : i32
      %dma_wait3A_72 = tpu.memref_slice %arg12[%add3A_19, %dma_wait3A_71] : memref<10240x128xf32, #tpu.memory_space<vmem_shared>> -> memref<64x128xf32, #tpu.memory_space<vmem_shared>>
      tpu.wait_dma2 semaphore(%run_scoped3A : memref<!tpu.dma_semaphore, #tpu.memory_space<semaphore_mem>>) src(%arg10 : memref<64x128xf32, #tpu.memory_space<vmem>>) dst(%dma_wait3A_72 : memref<64x128xf32, #tpu.memory_space<vmem_shared>>)
      tpu.yield
    }) : () -> ()
    %mul3A_20 = arith.constant 640 : i32
    %mul3A_21 = arith.muli %arg1, %mul3A_20 : i32
    %add3A_22 = arith.constant 192 : i32
    %add3A_23 = arith.addi %mul3A_21, %add3A_22 : i32
    "tpu.region"() ({
      %run_scoped3A = tpu.sem_alloc : memref<!tpu.dma_semaphore, #tpu.memory_space<semaphore_mem>>
      %dma_start3A_66 = arith.constant 0 : i32
      %dma_start3A_67 = tpu.memref_slice %arg12[%add3A_23, %dma_start3A_66] : memref<10240x128xf32, #tpu.memory_space<vmem_shared>> -> memref<64x128xf32, #tpu.memory_space<vmem_shared>>
      %dma_start3A_68 = arith.constant 0 : i32
      %dma_start3A_69 = tpu.memref_slice %arg12[%add3A_23, %dma_start3A_68] : memref<10240x128xf32, #tpu.memory_space<vmem_shared>> -> memref<64x128xf32, #tpu.memory_space<vmem_shared>>
      tpu.enqueue_dma source(%arg10 : memref<64x128xf32, #tpu.memory_space<vmem>>) target(%dma_start3A_69 : memref<64x128xf32, #tpu.memory_space<vmem_shared>>) target_semaphore(%run_scoped3A : memref<!tpu.dma_semaphore, #tpu.memory_space<semaphore_mem>>)
      %dma_wait3A = arith.constant 0 : i32
      %dma_wait3A_70 = tpu.memref_slice %arg12[%add3A_23, %dma_wait3A] : memref<10240x128xf32, #tpu.memory_space<vmem_shared>> -> memref<64x128xf32, #tpu.memory_space<vmem_shared>>
      %dma_wait3A_71 = arith.constant 0 : i32
      %dma_wait3A_72 = tpu.memref_slice %arg12[%add3A_23, %dma_wait3A_71] : memref<10240x128xf32, #tpu.memory_space<vmem_shared>> -> memref<64x128xf32, #tpu.memory_space<vmem_shared>>
      tpu.wait_dma2 semaphore(%run_scoped3A : memref<!tpu.dma_semaphore, #tpu.memory_space<semaphore_mem>>) src(%arg10 : memref<64x128xf32, #tpu.memory_space<vmem>>) dst(%dma_wait3A_72 : memref<64x128xf32, #tpu.memory_space<vmem_shared>>)
      tpu.yield
    }) : () -> ()
    %mul3A_24 = arith.constant 640 : i32
    %mul3A_25 = arith.muli %arg1, %mul3A_24 : i32
    %add3A_26 = arith.constant 256 : i32
    %add3A_27 = arith.addi %mul3A_25, %add3A_26 : i32
    "tpu.region"() ({
      %run_scoped3A = tpu.sem_alloc : memref<!tpu.dma_semaphore, #tpu.memory_space<semaphore_mem>>
      %dma_start3A_66 = arith.constant 0 : i32
      %dma_start3A_67 = tpu.memref_slice %arg12[%add3A_27, %dma_start3A_66] : memref<10240x128xf32, #tpu.memory_space<vmem_shared>> -> memref<64x128xf32, #tpu.memory_space<vmem_shared>>
      %dma_start3A_68 = arith.constant 0 : i32
      %dma_start3A_69 = tpu.memref_slice %arg12[%add3A_27, %dma_start3A_68] : memref<10240x128xf32, #tpu.memory_space<vmem_shared>> -> memref<64x128xf32, #tpu.memory_space<vmem_shared>>
      tpu.enqueue_dma source(%arg10 : memref<64x128xf32, #tpu.memory_space<vmem>>) target(%dma_start3A_69 : memref<64x128xf32, #tpu.memory_space<vmem_shared>>) target_semaphore(%run_scoped3A : memref<!tpu.dma_semaphore, #tpu.memory_space<semaphore_mem>>)
      %dma_wait3A = arith.constant 0 : i32
      %dma_wait3A_70 = tpu.memref_slice %arg12[%add3A_27, %dma_wait3A] : memref<10240x128xf32, #tpu.memory_space<vmem_shared>> -> memref<64x128xf32, #tpu.memory_space<vmem_shared>>
      %dma_wait3A_71 = arith.constant 0 : i32
      %dma_wait3A_72 = tpu.memref_slice %arg12[%add3A_27, %dma_wait3A_71] : memref<10240x128xf32, #tpu.memory_space<vmem_shared>> -> memref<64x128xf32, #tpu.memory_space<vmem_shared>>
      tpu.wait_dma2 semaphore(%run_scoped3A : memref<!tpu.dma_semaphore, #tpu.memory_space<semaphore_mem>>) src(%arg10 : memref<64x128xf32, #tpu.memory_space<vmem>>) dst(%dma_wait3A_72 : memref<64x128xf32, #tpu.memory_space<vmem_shared>>)
      tpu.yield
    }) : () -> ()
    %mul3A_28 = arith.constant 640 : i32
    %mul3A_29 = arith.muli %arg1, %mul3A_28 : i32
    %add3A_30 = arith.constant 320 : i32
    %add3A_31 = arith.addi %mul3A_29, %add3A_30 : i32
    "tpu.region"() ({
      %run_scoped3A = tpu.sem_alloc : memref<!tpu.dma_semaphore, #tpu.memory_space<semaphore_mem>>
      %dma_start3A_66 = arith.constant 0 : i32
      %dma_start3A_67 = tpu.memref_slice %arg12[%add3A_31, %dma_start3A_66] : memref<10240x128xf32, #tpu.memory_space<vmem_shared>> -> memref<64x128xf32, #tpu.memory_space<vmem_shared>>
      %dma_start3A_68 = arith.constant 0 : i32
      %dma_start3A_69 = tpu.memref_slice %arg12[%add3A_31, %dma_start3A_68] : memref<10240x128xf32, #tpu.memory_space<vmem_shared>> -> memref<64x128xf32, #tpu.memory_space<vmem_shared>>
      tpu.enqueue_dma source(%arg10 : memref<64x128xf32, #tpu.memory_space<vmem>>) target(%dma_start3A_69 : memref<64x128xf32, #tpu.memory_space<vmem_shared>>) target_semaphore(%run_scoped3A : memref<!tpu.dma_semaphore, #tpu.memory_space<semaphore_mem>>)
      %dma_wait3A = arith.constant 0 : i32
      %dma_wait3A_70 = tpu.memref_slice %arg12[%add3A_31, %dma_wait3A] : memref<10240x128xf32, #tpu.memory_space<vmem_shared>> -> memref<64x128xf32, #tpu.memory_space<vmem_shared>>
      %dma_wait3A_71 = arith.constant 0 : i32
      %dma_wait3A_72 = tpu.memref_slice %arg12[%add3A_31, %dma_wait3A_71] : memref<10240x128xf32, #tpu.memory_space<vmem_shared>> -> memref<64x128xf32, #tpu.memory_space<vmem_shared>>
      tpu.wait_dma2 semaphore(%run_scoped3A : memref<!tpu.dma_semaphore, #tpu.memory_space<semaphore_mem>>) src(%arg10 : memref<64x128xf32, #tpu.memory_space<vmem>>) dst(%dma_wait3A_72 : memref<64x128xf32, #tpu.memory_space<vmem_shared>>)
      tpu.yield
    }) : () -> ()
    %mul3A_32 = arith.constant 640 : i32
    %mul3A_33 = arith.muli %arg1, %mul3A_32 : i32
    %add3A_34 = arith.constant 384 : i32
    %add3A_35 = arith.addi %mul3A_33, %add3A_34 : i32
    "tpu.region"() ({
      %run_scoped3A = tpu.sem_alloc : memref<!tpu.dma_semaphore, #tpu.memory_space<semaphore_mem>>
      %dma_start3A_66 = arith.constant 0 : i32
      %dma_start3A_67 = tpu.memref_slice %arg12[%add3A_35, %dma_start3A_66] : memref<10240x128xf32, #tpu.memory_space<vmem_shared>> -> memref<64x128xf32, #tpu.memory_space<vmem_shared>>
      %dma_start3A_68 = arith.constant 0 : i32
      %dma_start3A_69 = tpu.memref_slice %arg12[%add3A_35, %dma_start3A_68] : memref<10240x128xf32, #tpu.memory_space<vmem_shared>> -> memref<64x128xf32, #tpu.memory_space<vmem_shared>>
      tpu.enqueue_dma source(%arg10 : memref<64x128xf32, #tpu.memory_space<vmem>>) target(%dma_start3A_69 : memref<64x128xf32, #tpu.memory_space<vmem_shared>>) target_semaphore(%run_scoped3A : memref<!tpu.dma_semaphore, #tpu.memory_space<semaphore_mem>>)
      %dma_wait3A = arith.constant 0 : i32
      %dma_wait3A_70 = tpu.memref_slice %arg12[%add3A_35, %dma_wait3A] : memref<10240x128xf32, #tpu.memory_space<vmem_shared>> -> memref<64x128xf32, #tpu.memory_space<vmem_shared>>
      %dma_wait3A_71 = arith.constant 0 : i32
      %dma_wait3A_72 = tpu.memref_slice %arg12[%add3A_35, %dma_wait3A_71] : memref<10240x128xf32, #tpu.memory_space<vmem_shared>> -> memref<64x128xf32, #tpu.memory_space<vmem_shared>>
      tpu.wait_dma2 semaphore(%run_scoped3A : memref<!tpu.dma_semaphore, #tpu.memory_space<semaphore_mem>>) src(%arg10 : memref<64x128xf32, #tpu.memory_space<vmem>>) dst(%dma_wait3A_72 : memref<64x128xf32, #tpu.memory_space<vmem_shared>>)
      tpu.yield
    }) : () -> ()
    %mul3A_36 = arith.constant 640 : i32
    %mul3A_37 = arith.muli %arg1, %mul3A_36 : i32
    %add3A_38 = arith.constant 448 : i32
    %add3A_39 = arith.addi %mul3A_37, %add3A_38 : i32
    "tpu.region"() ({
      %run_scoped3A = tpu.sem_alloc : memref<!tpu.dma_semaphore, #tpu.memory_space<semaphore_mem>>
      %dma_start3A_66 = arith.constant 0 : i32
      %dma_start3A_67 = tpu.memref_slice %arg12[%add3A_39, %dma_start3A_66] : memref<10240x128xf32, #tpu.memory_space<vmem_shared>> -> memref<64x128xf32, #tpu.memory_space<vmem_shared>>
      %dma_start3A_68 = arith.constant 0 : i32
      %dma_start3A_69 = tpu.memref_slice %arg12[%add3A_39, %dma_start3A_68] : memref<10240x128xf32, #tpu.memory_space<vmem_shared>> -> memref<64x128xf32, #tpu.memory_space<vmem_shared>>
      tpu.enqueue_dma source(%arg10 : memref<64x128xf32, #tpu.memory_space<vmem>>) target(%dma_start3A_69 : memref<64x128xf32, #tpu.memory_space<vmem_shared>>) target_semaphore(%run_scoped3A : memref<!tpu.dma_semaphore, #tpu.memory_space<semaphore_mem>>)
      %dma_wait3A = arith.constant 0 : i32
      %dma_wait3A_70 = tpu.memref_slice %arg12[%add3A_39, %dma_wait3A] : memref<10240x128xf32, #tpu.memory_space<vmem_shared>> -> memref<64x128xf32, #tpu.memory_space<vmem_shared>>
      %dma_wait3A_71 = arith.constant 0 : i32
      %dma_wait3A_72 = tpu.memref_slice %arg12[%add3A_39, %dma_wait3A_71] : memref<10240x128xf32, #tpu.memory_space<vmem_shared>> -> memref<64x128xf32, #tpu.memory_space<vmem_shared>>
      tpu.wait_dma2 semaphore(%run_scoped3A : memref<!tpu.dma_semaphore, #tpu.memory_space<semaphore_mem>>) src(%arg10 : memref<64x128xf32, #tpu.memory_space<vmem>>) dst(%dma_wait3A_72 : memref<64x128xf32, #tpu.memory_space<vmem_shared>>)
      tpu.yield
    }) : () -> ()
    %mul3A_40 = arith.constant 640 : i32
    %mul3A_41 = arith.muli %arg1, %mul3A_40 : i32
    %add3A_42 = arith.constant 512 : i32
    %add3A_43 = arith.addi %mul3A_41, %add3A_42 : i32
    "tpu.region"() ({
      %run_scoped3A = tpu.sem_alloc : memref<!tpu.dma_semaphore, #tpu.memory_space<semaphore_mem>>
      %dma_start3A_66 = arith.constant 0 : i32
      %dma_start3A_67 = tpu.memref_slice %arg12[%add3A_43, %dma_start3A_66] : memref<10240x128xf32, #tpu.memory_space<vmem_shared>> -> memref<64x128xf32, #tpu.memory_space<vmem_shared>>
      %dma_start3A_68 = arith.constant 0 : i32
      %dma_start3A_69 = tpu.memref_slice %arg12[%add3A_43, %dma_start3A_68] : memref<10240x128xf32, #tpu.memory_space<vmem_shared>> -> memref<64x128xf32, #tpu.memory_space<vmem_shared>>
      tpu.enqueue_dma source(%arg10 : memref<64x128xf32, #tpu.memory_space<vmem>>) target(%dma_start3A_69 : memref<64x128xf32, #tpu.memory_space<vmem_shared>>) target_semaphore(%run_scoped3A : memref<!tpu.dma_semaphore, #tpu.memory_space<semaphore_mem>>)
      %dma_wait3A = arith.constant 0 : i32
      %dma_wait3A_70 = tpu.memref_slice %arg12[%add3A_43, %dma_wait3A] : memref<10240x128xf32, #tpu.memory_space<vmem_shared>> -> memref<64x128xf32, #tpu.memory_space<vmem_shared>>
      %dma_wait3A_71 = arith.constant 0 : i32
      %dma_wait3A_72 = tpu.memref_slice %arg12[%add3A_43, %dma_wait3A_71] : memref<10240x128xf32, #tpu.memory_space<vmem_shared>> -> memref<64x128xf32, #tpu.memory_space<vmem_shared>>
      tpu.wait_dma2 semaphore(%run_scoped3A : memref<!tpu.dma_semaphore, #tpu.memory_space<semaphore_mem>>) src(%arg10 : memref<64x128xf32, #tpu.memory_space<vmem>>) dst(%dma_wait3A_72 : memref<64x128xf32, #tpu.memory_space<vmem_shared>>)
      tpu.yield
    }) : () -> ()
    %mul3A_44 = arith.constant 640 : i32
    %mul3A_45 = arith.muli %arg1, %mul3A_44 : i32
    %add3A_46 = arith.constant 576 : i32
    %add3A_47 = arith.addi %mul3A_45, %add3A_46 : i32
    "tpu.region"() ({
      %run_scoped3A = tpu.sem_alloc : memref<!tpu.dma_semaphore, #tpu.memory_space<semaphore_mem>>
      %dma_start3A_66 = arith.constant 0 : i32
      %dma_start3A_67 = tpu.memref_slice %arg12[%add3A_47, %dma_start3A_66] : memref<10240x128xf32, #tpu.memory_space<vmem_shared>> -> memref<64x128xf32, #tpu.memory_space<vmem_shared>>
      %dma_start3A_68 = arith.constant 0 : i32
      %dma_start3A_69 = tpu.memref_slice %arg12[%add3A_47, %dma_start3A_68] : memref<10240x128xf32, #tpu.memory_space<vmem_shared>> -> memref<64x128xf32, #tpu.memory_space<vmem_shared>>
      tpu.enqueue_dma source(%arg10 : memref<64x128xf32, #tpu.memory_space<vmem>>) target(%dma_start3A_69 : memref<64x128xf32, #tpu.memory_space<vmem_shared>>) target_semaphore(%run_scoped3A : memref<!tpu.dma_semaphore, #tpu.memory_space<semaphore_mem>>)
      %dma_wait3A = arith.constant 0 : i32
      %dma_wait3A_70 = tpu.memref_slice %arg12[%add3A_47, %dma_wait3A] : memref<10240x128xf32, #tpu.memory_space<vmem_shared>> -> memref<64x128xf32, #tpu.memory_space<vmem_shared>>
      %dma_wait3A_71 = arith.constant 0 : i32
      %dma_wait3A_72 = tpu.memref_slice %arg12[%add3A_47, %dma_wait3A_71] : memref<10240x128xf32, #tpu.memory_space<vmem_shared>> -> memref<64x128xf32, #tpu.memory_space<vmem_shared>>
      tpu.wait_dma2 semaphore(%run_scoped3A : memref<!tpu.dma_semaphore, #tpu.memory_space<semaphore_mem>>) src(%arg10 : memref<64x128xf32, #tpu.memory_space<vmem>>) dst(%dma_wait3A_72 : memref<64x128xf32, #tpu.memory_space<vmem_shared>>)
      tpu.yield
    }) : () -> ()
    %barrier3A = arith.constant 0 : index
    tpu.barrier barrier_id(%barrier3A)
    %dma_start3A = arith.constant 0 : i32
    %dma_start3A_48 = arith.constant 0 : i32
    %dma_start3A_49 = tpu.memref_slice %arg7[%dma_start3A, %dma_start3A_48] : memref<79x128xi32, #tpu.memory_space<vmem>> -> memref<1x64xi32, #tpu.memory_space<vmem>>
    %dma_start3A_50 = tpu.memref_squeeze %dma_start3A_49 : memref<1x64xi32, #tpu.memory_space<vmem>> -> memref<64xi32, #tpu.memory_space<vmem>>
    %dma_start3A_51 = arith.constant 0 : i32
    %dma_start3A_52 = arith.constant 0 : i32
    %dma_start3A_53 = tpu.memref_slice %arg2[%dma_start3A_51, %dma_start3A_52] : memref<10000x128xf32, #tpu.memory_space<hbm>> -> memref<10000x128xf32, #tpu.memory_space<hbm>>
    tpu.enqueue_indirect_dma source(%dma_start3A_53 : memref<10000x128xf32, #tpu.memory_space<hbm>>) target(%arg10 : memref<64x128xf32, #tpu.memory_space<vmem>>) offsets(%dma_start3A_50 : memref<64xi32, #tpu.memory_space<vmem>>) semaphore(%arg13 : memref<!tpu.dma_semaphore, #tpu.memory_space<semaphore_mem>>)
    %scan3A_54 = arith.constant 0 : i32
    %scan3A_55 = arith.constant 0 : i32
    %scan3A_56 = arith.constant 79 : i32
    %scan3A_57 = arith.addi %scan3A_55, %scan3A_56 : i32
    %scan3A_58 = arith.constant 1 : i32
    %scan3A_59 = scf.for %scan3A_66 = %scan3A_55 to %scan3A_57 step %scan3A_58 iter_args(%scan3A_67 = %scan3A_54) -> (i32)  : i32 {
      %dma_start3A_68 = arith.constant 64 : i32
      %dma_start3A_69 = tpu.memref_slice %arg7[%scan3A_66, %dma_start3A_68] : memref<79x128xi32, #tpu.memory_space<vmem>> -> memref<1x64xi32, #tpu.memory_space<vmem>>
      %dma_start3A_70 = tpu.memref_squeeze %dma_start3A_69 : memref<1x64xi32, #tpu.memory_space<vmem>> -> memref<64xi32, #tpu.memory_space<vmem>>
      %dma_start3A_71 = arith.constant 0 : i32
      %dma_start3A_72 = arith.constant 0 : i32
      %dma_start3A_73 = tpu.memref_slice %arg2[%dma_start3A_71, %dma_start3A_72] : memref<10000x128xf32, #tpu.memory_space<hbm>> -> memref<10000x128xf32, #tpu.memory_space<hbm>>
      tpu.enqueue_indirect_dma source(%dma_start3A_73 : memref<10000x128xf32, #tpu.memory_space<hbm>>) target(%arg11 : memref<64x128xf32, #tpu.memory_space<vmem>>) offsets(%dma_start3A_70 : memref<64xi32, #tpu.memory_space<vmem>>) semaphore(%arg14 : memref<!tpu.dma_semaphore, #tpu.memory_space<semaphore_mem>>)
      %dma_wait3A = arith.constant 0 : i32
      %dma_wait3A_74 = tpu.memref_slice %arg7[%scan3A_66, %dma_wait3A] : memref<79x128xi32, #tpu.memory_space<vmem>> -> memref<1x64xi32, #tpu.memory_space<vmem>>
      %dma_wait3A_75 = tpu.memref_squeeze %dma_wait3A_74 : memref<1x64xi32, #tpu.memory_space<vmem>> -> memref<64xi32, #tpu.memory_space<vmem>>
      %dma_wait3A_76 = arith.constant 0 : i32
      %dma_wait3A_77 = arith.constant 0 : i32
      %dma_wait3A_78 = tpu.memref_slice %arg2[%dma_wait3A_76, %dma_wait3A_77] : memref<10000x128xf32, #tpu.memory_space<hbm>> -> memref<10000x128xf32, #tpu.memory_space<hbm>>
      tpu.wait_indirect_dma semaphore(%arg13 : memref<!tpu.dma_semaphore, #tpu.memory_space<semaphore_mem>>) src(%dma_wait3A_78 : memref<10000x128xf32, #tpu.memory_space<hbm>>) dst(%arg10 : memref<64x128xf32, #tpu.memory_space<vmem>>)
      %add3A_79 = arith.constant 1 : i32
      %add3A_80 = arith.addi %scan3A_66, %add3A_79 : i32
      %lt3A = arith.constant 79 : i32
      %lt3A_81 = arith.cmpi slt, %add3A_80, %lt3A : i32
      %convert_element_type3A = arith.extui %lt3A_81 : i1 to i32
      %cond3A = arith.constant 0 : i32
      %cond3A_82 = arith.cmpi ne, %convert_element_type3A, %cond3A : i32
      scf.if %cond3A_82 {
        %add3A_90 = arith.constant 1 : i32
        %add3A_91 = arith.addi %scan3A_66, %add3A_90 : i32
        %dma_start3A_92 = arith.constant 0 : i32
        %dma_start3A_93 = tpu.memref_slice %arg7[%add3A_91, %dma_start3A_92] : memref<79x128xi32, #tpu.memory_space<vmem>> -> memref<1x64xi32, #tpu.memory_space<vmem>>
        %dma_start3A_94 = tpu.memref_squeeze %dma_start3A_93 : memref<1x64xi32, #tpu.memory_space<vmem>> -> memref<64xi32, #tpu.memory_space<vmem>>
        %dma_start3A_95 = arith.constant 0 : i32
        %dma_start3A_96 = arith.constant 0 : i32
        %dma_start3A_97 = tpu.memref_slice %arg2[%dma_start3A_95, %dma_start3A_96] : memref<10000x128xf32, #tpu.memory_space<hbm>> -> memref<10000x128xf32, #tpu.memory_space<hbm>>
        tpu.enqueue_indirect_dma source(%dma_start3A_97 : memref<10000x128xf32, #tpu.memory_space<hbm>>) target(%arg10 : memref<64x128xf32, #tpu.memory_space<vmem>>) offsets(%dma_start3A_94 : memref<64xi32, #tpu.memory_space<vmem>>) semaphore(%arg13 : memref<!tpu.dma_semaphore, #tpu.memory_space<semaphore_mem>>)
      } else {
      }
      %dma_wait3A_83 = arith.constant 64 : i32
      %dma_wait3A_84 = tpu.memref_slice %arg7[%scan3A_66, %dma_wait3A_83] : memref<79x128xi32, #tpu.memory_space<vmem>> -> memref<1x64xi32, #tpu.memory_space<vmem>>
      %dma_wait3A_85 = tpu.memref_squeeze %dma_wait3A_84 : memref<1x64xi32, #tpu.memory_space<vmem>> -> memref<64xi32, #tpu.memory_space<vmem>>
      %dma_wait3A_86 = arith.constant 0 : i32
      %dma_wait3A_87 = arith.constant 0 : i32
      %dma_wait3A_88 = tpu.memref_slice %arg2[%dma_wait3A_86, %dma_wait3A_87] : memref<10000x128xf32, #tpu.memory_space<hbm>> -> memref<10000x128xf32, #tpu.memory_space<hbm>>
      tpu.wait_indirect_dma semaphore(%arg14 : memref<!tpu.dma_semaphore, #tpu.memory_space<semaphore_mem>>) src(%dma_wait3A_88 : memref<10000x128xf32, #tpu.memory_space<hbm>>) dst(%arg11 : memref<64x128xf32, #tpu.memory_space<vmem>>)
      %scan3A_89 = arith.constant 0 : i32
      scf.yield %scan3A_89 : i32
    }
    %scan3A_60 = arith.constant 79 : i32
    %barrier3A_61 = arith.constant 0 : index
    tpu.barrier barrier_id(%barrier3A_61)
    %mul3A_62 = arith.constant 640 : i32
    %mul3A_63 = arith.muli %arg1, %mul3A_62 : i32
    %mul3A_64 = arith.constant 640 : i32
    %mul3A_65 = arith.muli %arg1, %mul3A_64 : i32
    "tpu.region"() ({
      %run_scoped3A = tpu.sem_alloc : memref<!tpu.dma_semaphore, #tpu.memory_space<semaphore_mem>>
      %dma_start3A_66 = arith.constant 0 : i32
      %dma_start3A_67 = tpu.memref_slice %arg6[%arg0, %mul3A_65, %dma_start3A_66] : memref<2x10240x128xf32, #tpu.memory_space<hbm>> -> memref<1x640x128xf32, #tpu.memory_space<hbm>>
      %dma_start3A_68 = tpu.memref_squeeze %dma_start3A_67 : memref<1x640x128xf32, #tpu.memory_space<hbm>> -> memref<640x128xf32, #tpu.memory_space<hbm>>
      %dma_start3A_69 = arith.constant 0 : i32
      %dma_start3A_70 = tpu.memref_slice %arg12[%mul3A_63, %dma_start3A_69] : memref<10240x128xf32, #tpu.memory_space<vmem_shared>> -> memref<640x128xf32, #tpu.memory_space<vmem_shared>>
      tpu.enqueue_dma source(%dma_start3A_70 : memref<640x128xf32, #tpu.memory_space<vmem_shared>>) target(%dma_start3A_68 : memref<640x128xf32, #tpu.memory_space<hbm>>) target_semaphore(%run_scoped3A : memref<!tpu.dma_semaphore, #tpu.memory_space<semaphore_mem>>)
      %dma_wait3A = arith.constant 0 : i32
      %dma_wait3A_71 = tpu.memref_slice %arg6[%arg0, %mul3A_65, %dma_wait3A] : memref<2x10240x128xf32, #tpu.memory_space<hbm>> -> memref<1x640x128xf32, #tpu.memory_space<hbm>>
      %dma_wait3A_72 = tpu.memref_squeeze %dma_wait3A_71 : memref<1x640x128xf32, #tpu.memory_space<hbm>> -> memref<640x128xf32, #tpu.memory_space<hbm>>
      %dma_wait3A_73 = arith.constant 0 : i32
      %dma_wait3A_74 = tpu.memref_slice %arg12[%mul3A_63, %dma_wait3A_73] : memref<10240x128xf32, #tpu.memory_space<vmem_shared>> -> memref<640x128xf32, #tpu.memory_space<vmem_shared>>
      tpu.wait_dma2 semaphore(%run_scoped3A : memref<!tpu.dma_semaphore, #tpu.memory_space<semaphore_mem>>) src(%dma_wait3A_74 : memref<640x128xf32, #tpu.memory_space<vmem_shared>>) dst(%dma_wait3A_72 : memref<640x128xf32, #tpu.memory_space<hbm>>)
      tpu.yield
    }) : () -> ()
    return
  }
}

module attributes {stable_mosaic.version = 14 : i64} {
  func.func @body(%arg0: i32, %arg1: memref<2x2000x128xf32, #tpu.memory_space<vmem>>, %arg2: memref<2000x128xf32, #tpu.memory_space<vmem>>, %arg3: memref<128x128xf32, #tpu.memory_space<vmem>>, %arg4: memref<2000x128xf32, #tpu.memory_space<vmem>>) attributes {dimension_semantics = [#tpu.dimension_semantics<arbitrary>], iteration_bounds = array<i64: 5>, scalar_prefetch = 0 : i64, scratch_operands = 0 : i64, tpu.core_type = #tpu.core_type<tc>, window_params = [{transform_indices = @transform_0, window_bounds = array<i64: 2, 2000, 128>}, {transform_indices = @transform_1, window_bounds = array<i64: 2000, 128>}, {pipeline_mode = #tpu.pipeline_mode<synchronous>, transform_indices = @transform_2, window_bounds = array<i64: 128, 128>}, {transform_indices = @transform_3, window_bounds = array<i64: 2000, 128>}]} {
    %get3A = arith.constant 0 : index
    %get3A_0 = arith.constant 0 : index
    %get3A_1 = arith.constant 0 : index
    %get3A_2 = vector.load %arg1[%get3A, %get3A_0, %get3A_1] : memref<2x2000x128xf32, #tpu.memory_space<vmem>>, vector<1x2000x128xf32>
    %get3A_3 = vector.shape_cast %get3A_2 : vector<1x2000x128xf32> to vector<2000x128xf32>
    %get3A_4 = arith.constant 1 : index
    %get3A_5 = arith.constant 0 : index
    %get3A_6 = arith.constant 0 : index
    %get3A_7 = vector.load %arg1[%get3A_4, %get3A_5, %get3A_6] : memref<2x2000x128xf32, #tpu.memory_space<vmem>>, vector<1x2000x128xf32>
    %get3A_8 = vector.shape_cast %get3A_7 : vector<1x2000x128xf32> to vector<2000x128xf32>
    %add3A = arith.addf %get3A_3, %get3A_8 : vector<2000x128xf32>
    %get3A_9 = arith.constant 0 : index
    %get3A_10 = arith.constant 0 : index
    %get3A_11 = vector.load %arg3[%get3A_9, %get3A_10] : memref<128x128xf32, #tpu.memory_space<vmem>>, vector<128x128xf32>
    %dot_general3A = arith.constant dense<0.000000e+00> : vector<2000x128xf32>
    %dot_general3A_12 = tpu.matmul %add3A, %get3A_11, %dot_general3A {dimension_numbers = #tpu.dot_dimension_numbers<[1], [1], [0], [0], [0, 0, 1, 0], [], []>, precision = #tpu.contract_precision<fp32>, transpose_lhs_hint = false} : vector<2000x128xf32>, vector<128x128xf32>, vector<2000x128xf32> -> vector<2000x128xf32>
    %get3A_13 = arith.constant 0 : index
    %get3A_14 = arith.constant 0 : index
    %get3A_15 = vector.load %arg2[%get3A_13, %get3A_14] : memref<2000x128xf32, #tpu.memory_space<vmem>>, vector<2000x128xf32>
    %add3A_16 = arith.addf %dot_general3A_12, %get3A_15 : vector<2000x128xf32>
    %swap3A = arith.constant 0 : index
    %swap3A_17 = arith.constant 0 : index
    %swap3A_18 = vector.load %arg4[%swap3A, %swap3A_17] : memref<2000x128xf32, #tpu.memory_space<vmem>>, vector<2000x128xf32>
    tpu.vector_store %arg4[%swap3A, %swap3A_17], %add3A_16 {strides = array<i32>} : memref<2000x128xf32, #tpu.memory_space<vmem>>, vector<2000x128xf32>,
    return
  }
  func.func @transform_0(%arg0: i32) -> (i32, i32, i32) {
    %c0_i32 = arith.constant 0 : i32
    %c0_i32_0 = arith.constant 0 : i32
    %c0_i32_1 = arith.constant 0 : i32
    return %c0_i32, %arg0, %c0_i32_0 : i32, i32, i32
  }
  func.func @transform_1(%arg0: i32) -> (i32, i32) {
    %c0_i32 = arith.constant 0 : i32
    %c0_i32_0 = arith.constant 0 : i32
    return %arg0, %c0_i32 : i32, i32
  }
  func.func @transform_2(%arg0: i32) -> (i32, i32) {
    %c0_i32 = arith.constant 0 : i32
    %c0_i32_0 = arith.constant 0 : i32
    %c0_i32_1 = arith.constant 0 : i32
    return %c0_i32, %c0_i32_0 : i32, i32
  }
  func.func @transform_3(%arg0: i32) -> (i32, i32) {
    %c0_i32 = arith.constant 0 : i32
    %c0_i32_0 = arith.constant 0 : i32
    return %arg0, %c0_i32 : i32, i32
  }
}

module attributes {stable_mosaic.version = 14 : i64} {
  func.func @body(%arg0: i32, %arg1: memref<2000x128xf32, #tpu.memory_space<vmem>>, %arg2: memref<128x128xf32, #tpu.memory_space<vmem>>, %arg3: memref<8x128xf32, #tpu.memory_space<vmem>>, %arg4: memref<2000x128xf32, #tpu.memory_space<vmem>>) attributes {dimension_semantics = [#tpu.dimension_semantics<arbitrary>], iteration_bounds = array<i64: 5>, scalar_prefetch = 0 : i64, scratch_operands = 0 : i64, tpu.core_type = #tpu.core_type<tc>, window_params = [{transform_indices = @transform_0, window_bounds = array<i64: 2000, 128>}, {pipeline_mode = #tpu.pipeline_mode<synchronous>, transform_indices = @transform_1, window_bounds = array<i64: 128, 128>}, {pipeline_mode = #tpu.pipeline_mode<synchronous>, transform_indices = @transform_2, window_bounds = array<i64: 8, 128>}, {transform_indices = @transform_3, window_bounds = array<i64: 2000, 128>}]} {
    %get3A = arith.constant 0 : index
    %get3A_0 = arith.constant 0 : index
    %get3A_1 = vector.load %arg1[%get3A, %get3A_0] : memref<2000x128xf32, #tpu.memory_space<vmem>>, vector<2000x128xf32>
    %get3A_2 = arith.constant 0 : index
    %get3A_3 = arith.constant 0 : index
    %get3A_4 = vector.load %arg2[%get3A_2, %get3A_3] : memref<128x128xf32, #tpu.memory_space<vmem>>, vector<128x128xf32>
    %dot_general3A = arith.constant dense<0.000000e+00> : vector<2000x128xf32>
    %dot_general3A_5 = tpu.matmul %get3A_1, %get3A_4, %dot_general3A {dimension_numbers = #tpu.dot_dimension_numbers<[1], [1], [0], [0], [0, 0, 1, 0], [], []>, precision = #tpu.contract_precision<fp32>, transpose_lhs_hint = false} : vector<2000x128xf32>, vector<128x128xf32>, vector<2000x128xf32> -> vector<2000x128xf32>
    %get3A_6 = arith.constant 0 : index
    %get3A_7 = arith.constant 0 : index
    %get3A_8 = vector.load %arg3[%get3A_6, %get3A_7] : memref<8x128xf32, #tpu.memory_space<vmem>>, vector<1x128xf32>
    %add3A = vector.broadcast %get3A_8 : vector<1x128xf32> to vector<2000x128xf32>
    %add3A_9 = arith.addf %dot_general3A_5, %add3A : vector<2000x128xf32>
    %swap3A = arith.constant 0 : index
    %swap3A_10 = arith.constant 0 : index
    %swap3A_11 = vector.load %arg4[%swap3A, %swap3A_10] : memref<2000x128xf32, #tpu.memory_space<vmem>>, vector<2000x128xf32>
    tpu.vector_store %arg4[%swap3A, %swap3A_10], %add3A_9 {strides = array<i32>} : memref<2000x128xf32, #tpu.memory_space<vmem>>, vector<2000x128xf32>,
    return
  }
  func.func @transform_0(%arg0: i32) -> (i32, i32) {
    %c0_i32 = arith.constant 0 : i32
    %c0_i32_0 = arith.constant 0 : i32
    return %arg0, %c0_i32 : i32, i32
  }
  func.func @transform_1(%arg0: i32) -> (i32, i32) {
    %c0_i32 = arith.constant 0 : i32
    %c0_i32_0 = arith.constant 0 : i32
    %c0_i32_1 = arith.constant 0 : i32
    return %c0_i32, %c0_i32_0 : i32, i32
  }
  func.func @transform_2(%arg0: i32) -> (i32, i32) {
    %c0_i32 = arith.constant 0 : i32
    %c0_i32_0 = arith.constant 0 : i32
    %c0_i32_1 = arith.constant 0 : i32
    return %c0_i32, %c0_i32_0 : i32, i32
  }
  func.func @transform_3(%arg0: i32) -> (i32, i32) {
    %c0_i32 = arith.constant 0 : i32
    %c0_i32_0 = arith.constant 0 : i32
    return %arg0, %c0_i32 : i32, i32
  }
}

</mosaic_0001>

<sc_bundles>
// kernel: kernel.5.cloned.1.call-start
scs
__scs_entry_jumppad:
0x0: {  	(pc) =	sbr.rel $0x88, $3  }
0x1: {  	(tag) =	ssettag $0x0;
	lr =	simm.s32 $0x1  }
0x2: {  	[smem:$0x3F9B] =	sst lr;
	_ =	strace $0xD0000000  }
0x3: {  	_ = 	snop  }
0x4: {  	_ = 	snop  }
0x5: {  	_ = 	snop  }
0x6: {  	_ = 	snop  }
0x7: {  	_ = 	snop  }
__scs_overlays_trampoline_lowered:
0x8: {  	[smem:$0x3FAA] =	sst s0  }
0x9: {  	[smem:$0x3FAB] =	sst s1  }
0xa: {  	[smem:$0x3FAC] =	sst s2  }
0xb: {  	[smem:$0x3FAD] =	sst s3  }
0xc: {  	[smem:$0x3FAE] =	sst s4  }
0xd: {  	[smem:$0x3FAF] =	sst s5  }
0xe: {  	[smem:$0x3FB0] =	sst s6  }
0xf: {  	[smem:$0x3FB1] =	sst s7  }
0x10: {  	[smem:$0x3FB2] =	sst s8  }
0x11: {  	[smem:$0x3FB3] =	sst s9;
	s0 =	simm.s32 @!p0 $0x0  }
0x12: {  	s1 =	sld [smem:$0x3F99];
	s0 =	simm.s32 @p0 $0x1  }
0x13: {  	[smem:$0x3FB4] =	sst s0;
	s0 =	simm.s32 @!p1 $0x0  }
0x14: {  	s2 =	sld [smem:$0x3F98];
	s0 =	simm.s32 @p1 $0x1  }
0x15: {  	[smem:$0x3FB5] =	sst s0;
	s0 =	simm.s32 @!p2 $0x0  }
0x16: {  	s3 =	sld [smem:$0x3FDB];
	s0 =	simm.s32 @p2 $0x1  }
0x17: {  	s4 =	simm.s32 $0x1BF5;
	[smem:$0x3FB7] =	sst s0  }
0x18: {  	s0 =	sld [smem:$0x3F9A];
	_ =	swait.ge [sflag:s4], $0x0  }
0x19: {  	s7 =	sld [smem:$0x3F9B]  }
0x1a: {  	s8 =	sadd.s32 $0xFFFFE003, lr  }
0x1b: {  	s9 =	sadd.s32 $0xFFFFFEF7, lr;
	s5 =	simm.s32 $0xFFFFFFFF;
	p2 =	slt.u32 s8, $0xFFFFF086  }
0x1c: {  	p1 =	slt.u32 s9, $0xF7A;
	s5 =	simm.s32 @!p2 $0x0  }
0x1d: {  	s5 =	simm.s32 @p1 $0x1;
	p0 =	seq.s32 s7, s2  }
0x1e: {  	s7 =	smul.u32 @!p0 $0xF7A, s2;
	p2 =	seq.s32 @!p0 s5, $0x0  }
0x1f: {  	s9 =	smul.u32 $0xF7A, s1;
	s8 =	simm.s32 @!p0 $0x1BF5;
	p2 =	por !p2, p0  }
0x20: {  	[sflag:s8] =	ssyncset.s32 @!p0 $0xFFFFF086;
	s6 =	sadd.s32 @!p0 s3, s7;
	s7 =	simm.s32 @!p0 $0x108  }
0x21: {  	s3 =	sadd.s32 s3, s9;
	s6 =	sadd.s32 @!p0 $0x88, s6;
	s7 =	simm.s32 @p2 $0x1082  }
0x22: {  	[simem:s7], [sflag:s8] =	dma.local @!p0 [hbm:s6], $0xF7A  }
0x23: {  	s9 =	sor.u32 $0xD0000000, s2;
	s6 =	simm.s32 $0x108;
	_ =	swait.ge @!p0 [sflag:s8], $0x0  }
0x24: {  	s3 =	sadd.s32 $0x88, s3;
	s6 =	simm.s32 @!p1 $0x1082;
	[sflag:s4] =	ssyncset.s32 $0xFFFFF086  }
0x25: {  	[simem:s6], [sflag:s4] =	dma.local [hbm:s3], $0xF7A  }
0x26: {  	[smem:$0x3F9B] =	sst s1;
	(tag) =	ssettag s2;
	_ =	strace s9  }
0x27: {  	s1 =	sld [smem:$0x3FAB]  }
0x28: {  	s2 =	sld [smem:$0x3FAC]  }
0x29: {  	s4 =	sld [smem:$0x3FAE]  }
0x2a: {  	p0 =	seq.s32 s5, $0x0;
	s5 =	sld [smem:$0x3FAF]  }
0x2b: {  	s6 =	sld [smem:$0x3FB0]  }
0x2c: {  	s7 =	sld [smem:$0x3FB1]  }
0x2d: {  	s3 =	simm.s32 $0x108;
	s8 =	sld [smem:$0x3FB2]  }
0x2e: {  	s3 =	simm.s32 @!p0 $0x1082;
	s9 =	sld [smem:$0x3FB3]  }
0x2f: {  	lr =	sadd.s32 s0, s3;
	s0 =	sld [smem:$0x3FAA]  }
0x30: {  	s3 =	sld [smem:$0x3FAD]  }
0x31: {  	[smem:$0x3FB6] =	sst s10  }
0x32: {  	s10 =	sld [smem:$0x3FB4];
	_ =	sdelay $0x3  }
0x33: {  	p0 =	seq.s32 s10, $0x1;
	s10 =	sld [smem:$0x3FB6];
	_ =	sdelay $0x3  }
0x34: {  	[smem:$0x3FB6] =	sst s10  }
0x35: {  	s10 =	sld [smem:$0x3FB5];
	_ =	sdelay $0x3  }
0x36: {  	p1 =	seq.s32 s10, $0x1;
	s10 =	sld [smem:$0x3FB6];
	_ =	sdelay $0x3  }
0x37: {  	[smem:$0x3FB6] =	sst s10  }
0x38: {  	s10 =	sld [smem:$0x3FB7]  }
0x39: {  	_ = 	snop;
	(pc) =	sbr.ind lr, $3  }
0x3a: {  	_ = 	snop  }
0x3b: {  	_ = 	snop  }
0x3c: {  	p2 =	seq.s32 s10, $0x1;
	s10 =	sld [smem:$0x3FB6]  }
0x3d: {  	_ =	shalt  }
0x3e: {  	_ =	shalt  }
0x3f: {  	_ =	shalt  }
0x40: {  	_ =	shalt  }
0x41: {  	_ =	shalt  }
0x42: {  	_ =	shalt  }
0x43: {  	_ =	shalt  }
0x44: {  	_ =	shalt  }
0x45: {  	_ =	shalt  }
0x46: {  	_ =	shalt  }
0x47: {  	_ =	shalt  }
0x48: {  	_ =	shalt  }
0x49: {  	_ =	shalt  }
0x4a: {  	_ =	shalt  }
0x4b: {  	_ =	shalt  }
0x4c: {  	_ =	shalt  }
0x4d: {  	_ =	shalt  }
0x4e: {  	_ =	shalt  }
0x4f: {  	_ =	shalt  }
0x50: {  	_ =	shalt  }
0x51: {  	_ =	shalt  }
0x52: {  	_ =	shalt  }
0x53: {  	_ =	shalt  }
0x54: {  	_ =	shalt  }
0x55: {  	_ =	shalt  }
0x56: {  	_ =	shalt  }
0x57: {  	_ =	shalt  }
0x58: {  	_ =	shalt  }
0x59: {  	_ =	shalt  }
0x5a: {  	_ =	shalt  }
0x5b: {  	_ =	shalt  }
0x5c: {  	_ =	shalt  }
0x5d: {  	_ =	shalt  }
0x5e: {  	_ =	shalt  }
0x5f: {  	_ =	shalt  }
0x60: {  	_ =	shalt  }
0x61: {  	_ =	shalt  }
0x62: {  	_ =	shalt  }
0x63: {  	_ =	shalt  }
0x64: {  	_ =	shalt  }
0x65: {  	_ =	shalt  }
0x66: {  	_ =	shalt  }
0x67: {  	_ =	shalt  }
0x68: {  	_ =	shalt  }
0x69: {  	_ =	shalt  }
0x6a: {  	_ =	shalt  }
0x6b: {  	_ =	shalt  }
0x6c: {  	_ =	shalt  }
0x6d: {  	_ =	shalt  }
0x6e: {  	_ =	shalt  }
0x6f: {  	_ =	shalt  }
0x70: {  	_ =	shalt  }
0x71: {  	_ =	shalt  }
0x72: {  	_ =	shalt  }
0x73: {  	_ =	shalt  }
0x74: {  	_ =	shalt  }
0x75: {  	_ =	shalt  }
0x76: {  	_ =	shalt  }
0x77: {  	_ =	shalt  }
0x78: {  	_ =	shalt  }
0x79: {  	_ =	shalt  }
0x7a: {  	_ =	shalt  }
0x7b: {  	_ =	shalt  }
0x7c: {  	_ =	shalt  }
0x7d: {  	_ =	shalt  }
0x7e: {  	_ =	shalt  }
0x7f: {  	_ =	shalt  }
0x80: {  	_ =	shalt  }
0x81: {  	_ =	shalt  }
0x82: {  	_ =	shalt  }
0x83: {  	_ =	shalt  }
0x84: {  	_ =	shalt  }
0x85: {  	_ =	shalt  }
0x86: {  	_ =	shalt  }
0x87: {  	_ =	shalt  }
.Lfunc_end0:
.L_simem_size_0:
called_computation_lowered:
.L_overlay_start_0:
0x88: {  	s2 =	sld [smem:$0x3FD9]  }
0x89: {  	s3 =	sld [smem:$0x3FFE];
	_ =	sdelay $0x1  }
0x8a: {  	s1 =	srdreg.scid  }
0x8b: {  	s0 =	sand.u32 $0x1, s1  }
0x8c: {  	s17 =	sshll.u32 s0, $0xA;
	s2 =	sadd.s32 s3, s2  }
0x8d: {  	s2 =	sadd.s32 s2, s17  }
0x8e: {  	[smem:$0x3FC2] =	sst s2  }
0x8f: {  	_ = 	snop  }
0x90: {  	s2 =	sld [smem:$0x3FC9]  }
0x91: {  	s18 =	sld [smem:$0x3FD0];
	(tm) =	ssettm $0x1  }
0x92: {  	s4 =	sld [smem:$0x3FFB];
	_ =	sdelay $0x3  }
0x93: {  	_ =	strace s4  }
0x94: {  	s4 =	sld [smem:$0x3FFC];
	_ =	sdelay $0x3  }
0x95: {  	_ =	strace s4  }
0x96: {  	s4 =	sld [smem:$0x3FFD];
	_ =	sdelay $0x3  }
0x97: {  	_ =	strace s4  }
0x98: {  	_ =	strace $0x8FFFFFFF  }
0x99: {  	s19 =	sld [smem:$0x3FDB];
	_ =	sdelay $0x1  }
0x9a: {  	s5 =	simm.s32 $_scs_section_size  }
0x9b: {  	s6 =	simm.s32 $_size__tile_overlayer_lowered;
	s7 =	simm.s32 $_tile_overlayer_lowered  }
0x9c: {  	s22 =	simm.s32 $0x1BFF;
	s21 =	sshll.u32 s7, $0x1;
	s4 =	sadd.s32 s5, s19  }
0x9d: {  	s8 =	simm.s32 $0x0;
	s20 =	sshll.u32 s6, $0x1;
	s6 =	sadd.s32 s21, s4  }
0x9e: {  	[timem:s8], [sflag:s22] =	dma.local [hbm:s6], s20  }
0x9f: {  	_ =	swait.ge [sflag:s22], s20  }
0xa0: {  	s5 =	ssub.s32 $0x0, s20;
	[sflag:s22] =	ssyncset.done $0x0  }
0xa1: {  	[sflag:s22] =	ssyncadd.s32 s5;
	_ =	sdelay $0x1  }
0xa2: {  	s23 =	simm.s32 $0x1B8B  }
0xa3: {  	_ =	swait.ge [sflag:s23], $0x1  }
0xa4: {  	[sflag:s23] =	ssyncset.done $0x0  }
0xa5: {  	s25 =	simm.s32 $0x1B8E;
	s24 =	sld [smem:$0x3FFE];
	[sflag:s23] =	ssyncadd.s32 $0xFFFFFFFF  }
0xa6: {  	s26 =	simm.s32 $execute0_lowered;
	[smem:$0x3FD2] =	sst s25  }
0xa7: {  	s6 =	sshll.u32 s26, $0x1;
	_ =	strace $0x80000046;
	[dreg:$0x1] =	wrdreg $0xFFFFFFFF  }
0xa8: {  	s28 =	simm.s32 $_size_execute0_lowered;
	s4 =	sadd.s32 s4, s6;
	[dreg:$0x0] =	wrdreg $0x0  }
0xa9: {  	s6 =	sshll.u32 s28, $0x1;
	[dreg:$0x2] =	wrdreg s4  }
0xaa: {  	[dreg:$0x3] =	wrdreg s6  }
0xab: {  	[dreg:$0x4] =	wrdreg $0xC0  }
0xac: {  	_ =	task [dreg:s8], $0x5FFFF  }
0xad: {  	[dreg:$0x1] =	wrdreg $0xFFFFFFFF  }
0xae: {  	[dreg:$0x0] =	wrdreg $0x60  }
0xaf: {  	[dreg:$0x2] =	wrdreg s2  }
0xb0: {  	[dreg:$0x3] =	wrdreg s18  }
0xb1: {  	[dreg:$0x4] =	wrdreg s24  }
0xb2: {  	[dreg:$0x5] =	wrdreg $0xB8000  }
0xb3: {  	[dreg:$0x6] =	wrdreg $0x9  }
0xb4: {  	_ =	task.clear_ibuf [dreg:s8], $0x7FFFF;
	_ =	strace $0x90000046  }
0xb5: {  	s29 =	simm.s32 $0x9;
	_ =	strace $0x80000048  }
0xb6: {  	_ =	swait.ge [sflag:s29], $0x1  }
0xb7: {  	[sflag:s29] =	ssyncadd.s32 $0xFFFFFFFF  }
0xb8: {  	_ =	strace $0x90000048  }
0xb9: {  	_ =	sfence  }
0xba: {  	s30 =	sld [smem:$0x0];
	_ =	sdelay $0x2  }
0xbb: {  	s31 =	sshll.u32 s1, $0xD;
	s1 =	sshrl.u32 s1, $0x2  }
0xbc: {  	s3 =	sand.u32 $0x4000, s31;
	s1 =	sadd.s32 s1, s30  }
0xbd: {  	s0 =	sor.u32 s3, s0;
	s1 =	sshll.u32 s1, $0x11  }
0xbe: {  	s0 =	sor.u32 s1, s0  }
0xbf: {  	s0 =	sadd.s32 $0x8F2B, s0  }
0xc0: {  	[sflag:s0] =	ssyncadd.remote.s32 $0x1  }
0xc1: {  	_ =	sfence.sel $0xFFFF  }
0xc2: {  	[dreg:$0x0] =	wrdreg $0xFFFFFFFF;
	(pc) =	sbr.abs _section_cstart, $3  }
0xc3: {  	[dreg:$0x1] =	wrdreg $0xFFFFFFFF  }
0xc4: {  	_ =	task.clear_ibuf [dreg:s8], $0x2FFFF;
	_ =	strace $0x9FFFFFFF  }
0xc5: {  	(tm) =	ssettm $0x7FFFFFFF  }
tec
execute0_lowered:
.L_overlay_start_1:
0x0: {  	(tag) =	ssettag $0x1  }
0x1: {  	s1 =	rddreg [dreg:$0x0]  }
0x2: {  	s0 =	rddreg [dreg:$0x1]  }
0x3: {  	s4 =	rddreg [dreg:$0x2]  }
0x4: {  	s7 =	rddreg [dreg:$0x3]  }
0x5: {  	s2 =	srdreg.scid;
	s26 =	stileid.u32  }
0x6: {  	s3 =	simm.s32 $0x0;
	s19 =	simm.s32 $0x3;
	s21 =	simm.s32 $0x5000  }
0x7: {  	s22 =	simm.s32 $0x7800;
	s23 =	simm.s32 $0x40;
	s24 =	simm.s32 $0x9800  }
0x8: {  	s25 =	simm.s32 $0x1;
	s28 =	simm.s32 $0x2740;
	s9 =	smul.u32 $0x14000, s26  }
0x9: {  	s29 =	simm.s32 $0x0;
	s5 =	sand.u32 $0x1, s2;
	s30 =	smul.u32 $0x50000, s26  }
0xa: {  	[smem:$0x7FF] =	sst s3;
	s6 =	smul.u32 $0x140000, s5;
	s8 =	sshll.u32 s5, $0x4  }
0xb: {  	_ =	strace $0x80000047;
	s5 =	ssub.s32 $0x2, s5;
	s8 =	sor.u32 s26, s8  }
0xc: {  	s31 =	sshrl.u32 s5, $0x1;
	s26 =	simm.s32 $0x2;
	s8 =	smul.u32 $0x500, s8  }
0xd: {  	s6 =	sadd.s32 s9, s6;
	s18 =	ssub.s32 s5, s31;
	s9 =	sshrl.u32 s30, $0x2  }
0xe: {  	s6 =	sshrl.u32 s6, $0x3;
	s7 =	sadd.s32 s9, s7;
	s18 =	smax.u32 s18, $0x1  }
0xf: {  	s10 =	sadd.s32 s8, s4;
	s17 =	sadd.s32 s6, s4;
	s5 =	sadd.s32 s0, s8  }
0x10: {  	s8 =	sadd.s32 $0x2000, s7;
	s9 =	sadd.s32 $0x4000, s7;
	s11 =	sadd.s32 $0x8000, s7  }
0x11: {  	s12 =	sadd.s32 $0xA000, s7;
	s13 =	sadd.s32 $0xC000, s7;
	s14 =	sadd.s32 $0xE000, s7  }
0x12: {  	s15 =	sadd.s32 $0x10000, s7;
	s16 =	sadd.s32 $0x12000, s7;
	s4 =	sadd.s32 $0xAE00, s10  }
0x13: {  	v0 =	vimm.f32 $0.0e+00;
	s6 =	sadd.s32 $0xE00, s10;
	s10 =	sadd.s32 $0x6000, s7;
	s17 =	sadd.s32 $0x14E00, s17  }
.LBB2_1:
0x14: {  	[tilespmem:s3], [sflag:$0x3] =	stream.linear.gather [hbm4b:s4+s3], $0x2780, $0x38;
	[tilespmem:$0x1F800] =	vst v63  }
0x15: {  	_ =	swait.ge [sflag:s19], $0x2780  }
0x16: {  	[sflag:s19] =	ssyncset.done $0x0  }
0x17: {  	s0 =	simm.s32 $0x2800;
	[sflag:s19] =	ssyncadd.s32 $0xFFFFD880  }
0x18: {  	[tilespmem:s0], [sflag:$0x3] =	stream.linear.gather [hbm4b:s5+s3], $0x2780, $0x38;
	[tilespmem:$0x1F800] =	vst v63  }
0x19: {  	_ =	swait.ge [sflag:s19], $0x2780  }
0x1a: {  	[sflag:s19] =	ssyncset.done $0x0  }
0x1b: {  	[sflag:s19] =	ssyncadd.s32 $0xFFFFD880  }
0x1c: {  	[tilespmem:s21], [sflag:$0x3] =	stream.linear.gather [hbm4b:s6+s3], $0x2780, $0x38;
	[tilespmem:$0x1F800] =	vst v63  }
0x1d: {  	s20 =	sand.u32 $0x7E00, s3;
	s31 =	sand.u32 $0x70, s3;
	_ =	swait.ge [sflag:s19], $0x2780  }
0x1e: {  	s30 =	simm.s32 $0x40;
	s0 =	sshrl.u32 s20, $0x2;
	[sflag:s19] =	ssyncset.done $0x0  }
0x1f: {  	s0 =	sor.u32 s31, s0;
	s31 =	simm.s32 $0x0;
	[sflag:s19] =	ssyncadd.s32 $0xFFFFD880  }
.LBB2_2:
0x20: {  	p0 =	sne.s32 s30, $0x7FC0  }
0x21: {  	[tilespmem:s0+$0x7800] =	vst v0;
	s31 =	sadd.s32 $0x10, s31;
	s0 =	smov.u32 s30;
	s30 =	sadd.s32 $0x40, s30  }
.Ltmp0:
0x22: {  	(pc) =	sbr.rel @p0 .LBB2_2-.Ltmp0, $4  }
0x23: {  	_ = 	snop  }
0x24: {  	s0 =	sand.u32 $0x7E00, s0  }
0x25: {  	s2 =	sand.u32 $0x70, s31;
	s0 =	sshrl.u32 s0, $0x2  }
0x26: {  	s0 =	sor.u32 s2, s0  }
0x27: {  	[tilespmem:s0+$0x7800] =	vst v0  }
0x28: {  	[spmem:s7] =	stream.linear.scatter [tilespmem:s22], [sflag:$0x3], $0x2000, $0x38;
	[tilespmem:$0x1F800] =	vst v63  }
0x29: {  	_ =	swait.ge [sflag:s19], $0x2000  }
0x2a: {  	[sflag:s19] =	ssyncset.done $0x0  }
0x2b: {  	[sflag:s19] =	ssyncadd.s32 $0xFFFFE000  }
0x2c: {  	[spmem:s8] =	stream.linear.scatter [tilespmem:s22], [sflag:$0x3], $0x2000, $0x38;
	[tilespmem:$0x1F800] =	vst v63  }
0x2d: {  	_ =	swait.ge [sflag:s19], $0x2000  }
0x2e: {  	[sflag:s19] =	ssyncset.done $0x0  }
0x2f: {  	[sflag:s19] =	ssyncadd.s32 $0xFFFFE000  }
0x30: {  	[spmem:s9] =	stream.linear.scatter [tilespmem:s22], [sflag:$0x3], $0x2000, $0x38;
	[tilespmem:$0x1F800] =	vst v63  }
0x31: {  	_ =	swait.ge [sflag:s19], $0x2000  }
0x32: {  	[sflag:s19] =	ssyncset.done $0x0  }
0x33: {  	[sflag:s19] =	ssyncadd.s32 $0xFFFFE000  }
0x34: {  	[spmem:s10] =	stream.linear.scatter [tilespmem:s22], [sflag:$0x3], $0x2000, $0x38;
	[tilespmem:$0x1F800] =	vst v63  }
0x35: {  	_ =	swait.ge [sflag:s19], $0x2000  }
0x36: {  	[sflag:s19] =	ssyncset.done $0x0  }
0x37: {  	[sflag:s19] =	ssyncadd.s32 $0xFFFFE000  }
0x38: {  	[spmem:s11] =	stream.linear.scatter [tilespmem:s22], [sflag:$0x3], $0x2000, $0x38;
	[tilespmem:$0x1F800] =	vst v63  }
0x39: {  	_ =	swait.ge [sflag:s19], $0x2000  }
0x3a: {  	[sflag:s19] =	ssyncset.done $0x0  }
0x3b: {  	[sflag:s19] =	ssyncadd.s32 $0xFFFFE000  }
0x3c: {  	[spmem:s12] =	stream.linear.scatter [tilespmem:s22], [sflag:$0x3], $0x2000, $0x38;
	[tilespmem:$0x1F800] =	vst v63  }
0x3d: {  	_ =	swait.ge [sflag:s19], $0x2000  }
0x3e: {  	[sflag:s19] =	ssyncset.done $0x0  }
0x3f: {  	[sflag:s19] =	ssyncadd.s32 $0xFFFFE000  }
0x40: {  	[spmem:s13] =	stream.linear.scatter [tilespmem:s22], [sflag:$0x3], $0x2000, $0x38;
	[tilespmem:$0x1F800] =	vst v63  }
0x41: {  	_ =	swait.ge [sflag:s19], $0x2000  }
0x42: {  	[sflag:s19] =	ssyncset.done $0x0  }
0x43: {  	[sflag:s19] =	ssyncadd.s32 $0xFFFFE000  }
0x44: {  	[spmem:s14] =	stream.linear.scatter [tilespmem:s22], [sflag:$0x3], $0x2000, $0x38;
	[tilespmem:$0x1F800] =	vst v63  }
0x45: {  	_ =	swait.ge [sflag:s19], $0x2000  }
0x46: {  	[sflag:s19] =	ssyncset.done $0x0  }
0x47: {  	[sflag:s19] =	ssyncadd.s32 $0xFFFFE000  }
0x48: {  	[spmem:s15] =	stream.linear.scatter [tilespmem:s22], [sflag:$0x3], $0x2000, $0x38;
	[tilespmem:$0x1F800] =	vst v63  }
0x49: {  	_ =	swait.ge [sflag:s19], $0x2000  }
0x4a: {  	[sflag:s19] =	ssyncset.done $0x0  }
0x4b: {  	[sflag:s19] =	ssyncadd.s32 $0xFFFFE000  }
0x4c: {  	[spmem:s16] =	stream.linear.scatter [tilespmem:s22], [sflag:$0x3], $0x2000, $0x38;
	[tilespmem:$0x1F800] =	vst v63  }
0x4d: {  	_ =	swait.ge [sflag:s19], $0x2000  }
0x4e: {  	[sflag:s19] =	ssyncset.done $0x0  }
0x4f: {  	[sflag:s19] =	ssyncadd.s32 $0xFFFFE000  }
0x50: {  	[bflag:$0x0] =	sbarrier.arrive $0xFFFF  }
0x51: {  	[tilespmem:s22], [sflag:$0x1] =	stream.indirect.gather [hbm4b:s1+s23], $0x80, s3, s23, $0xb8;
	[tilespmem:$0x1F800] =	vst v63  }
0x52: {  	s2 =	simm.s32 $0x40  }
0x53: {  	[tilespmem:s24], [sflag:$0x2] =	stream.indirect.gather [hbm4b:s1+s23], $0x80, s2, s23, $0xb8;
	[tilespmem:$0x1F800] =	vst v63  }
0x54: {  	_ =	swait.ge [sflag:s25], $0x2000  }
0x55: {  	[sflag:s25] =	ssyncset.done $0x0  }
0x56: {  	s20 =	simm.s32 $0x80;
	[sflag:s25] =	ssyncadd.s32 $0xFFFFE000  }
0x57: {  	[tilespmem:s22], [sflag:$0x1] =	stream.indirect.gather [hbm4b:s1+s23], $0x80, s20, s23, $0xb8;
	[tilespmem:$0x1F800] =	vst v63  }
0x58: {  	_ =	swait.ge [sflag:s26], $0x2000  }
0x59: {  	s31 =	simm.s32 $0xFFFF6800;
	s30 =	simm.s32 $0xFFFFD980;
	[sflag:s26] =	ssyncset.done $0x0  }
.LBB2_4:
0x5a: {  	s0 =	sadd.s32 $0x2740, s30  }
0x5b: {  	[sflag:s26] =	ssyncadd.s32 $0xFFFFE000;
	s2 =	smov.u32 s31;
	s20 =	sadd.s32 $0x200, s31  }
0x5c: {  	[tilespmem:s24], [sflag:$0x2] =	stream.indirect.gather [hbm4b:s1+s23], $0x80, s0, s23, $0xb8;
	[tilespmem:$0x1F800] =	vst v63  }
0x5d: {  	p0 =	sne.s32 s31, $0xFFFFFE00;
	_ =	swait.ge [sflag:s25], $0x2000  }
.Ltmp1:
0x5e: {  	[sflag:s25] =	ssyncset.done $0x0;
	(pc) =	sbr.rel @p0 .LBB2_4-.Ltmp1, $4  }
0x5f: {  	s0 =	sadd.s32 $0x2780, s30;
	[sflag:s25] =	ssyncadd.s32 $0xFFFFE000  }
0x60: {  	[tilespmem:s22], [sflag:$0x1] =	stream.indirect.gather [hbm4b:s1+s23], $0x80, s0, s23, $0xb8;
	[tilespmem:$0x1F800] =	vst v63  }
0x61: {  	_ =	swait.ge [sflag:s26], $0x2000  }
0x62: {  	s30 =	sshra.s32 s2, $0x2;
	s31 =	smov.u32 s20;
	[sflag:s26] =	ssyncset.done $0x0  }
0x63: {  	s0 =	sadd.s32 $0x2740, s30;
	[sflag:s26] =	ssyncadd.s32 $0xFFFFE000  }
0x64: {  	[tilespmem:s24], [sflag:$0x2] =	stream.indirect.gather [hbm4b:s1+s23], $0x80, s0, s23, $0xb8;
	[tilespmem:$0x1F800] =	vst v63  }
0x65: {  	_ =	swait.ge [sflag:s25], $0x2000  }
0x66: {  	[sflag:s25] =	ssyncset.done $0x0  }
0x67: {  	s30 =	sadd.s32 $0x2780, s30;
	[sflag:s25] =	ssyncadd.s32 $0xFFFFE000  }
0x68: {  	[tilespmem:s22], [sflag:$0x1] =	stream.indirect.gather [hbm4b:s1+s23], $0x80, s30, s23, $0xb8;
	[tilespmem:$0x1F800] =	vst v63  }
0x69: {  	_ =	swait.ge [sflag:s26], $0x2000  }
0x6a: {  	[sflag:s26] =	ssyncset.done $0x0  }
0x6b: {  	[sflag:s26] =	ssyncadd.s32 $0xFFFFE000  }
0x6c: {  	[tilespmem:s24], [sflag:$0x2] =	stream.indirect.gather [hbm4b:s1+s23], $0x80, s28, s23, $0xb8;
	[tilespmem:$0x1F800] =	vst v63  }
0x6d: {  	_ =	swait.ge [sflag:s25], $0x2000  }
0x6e: {  	[sflag:s25] =	ssyncset.done $0x0  }
0x6f: {  	[sflag:s25] =	ssyncadd.s32 $0xFFFFE000  }
0x70: {  	s31 =	stileid.u32;
	_ =	swait.ge [sflag:s26], $0x2000  }
0x71: {  	s2 =	sshrl.u32 s7, $0x3;
	s29 =	sadd.s32 $0x1, s29;
	[sflag:s26] =	ssyncset.done $0x0  }
0x72: {  	s0 =	sshll.u32 s31, $0x6;
	p0 =	sne.s32 s29, s18;
	[sflag:s26] =	ssyncadd.s32 $0xFFFFE000  }
.Ltmp2:
0x73: {  	s0 =	sor.u32 $0x1C03, s0;
	[bflag:$0x0] =	sbarrier.arrive $0xFFFF;
	(pc) =	sbr.rel @p0 .LBB2_1-.Ltmp2, $4  }
0x74: {  	[hbm:s17], [sflag:s0] =	dma.local [spmem:s2], $0x2800  }
0x75: {  	_ =	swait.ge [sflag:s19], $0x2800  }
0x76: {  	[sflag:s19] =	ssyncset.done $0x0  }
0x77: {  	[sflag:s19] =	ssyncadd.s32 $0xFFFFD800  }
0x78: {  	_ =	sfence.sel $0x180000  }
0x79: {  	[bflag:$0x0] =	sbarrier.arrive $0xFFFF  }
0x7a: {  	_ =	strace $0x90000047  }
0x7b: {  	s0 =	stileid.u32;
	[bflag:$0x2] =	sbarrier.arrive $0xFFFF  }
0x7c: {  	p0 =	sne.s32 s0, $0x0;
	s0 =	rddreg [dreg:$0x4]  }
0x7d: {  	s0 =	sadd.s32 @!p0 $0x100000, s0  }
0x7e: {  	[sflag:s0] =	ssyncadd.tile.s32 @!p0 $0x1;
	_ =	shalt  }
.Lfunc_end2:
_tile_overlayer_lowered:
.L_overlay_start_2:
0x7f: {  	(tag) =	ssettag $0x2  }
0x80: {  	s0 =	rddreg [dreg:$0x0];
	s2 =	stileid.u32  }
0x81: {  	s1 =	rddreg [dreg:$0x1];
	p0 =	sne.s32 s2, $0x0  }
0x82: {  	s3 =	rddreg [dreg:$0x2];
	[bflag:$0x3] =	sbarrier.arrive $0xFFFF;
	s2 =	simm.s32 @!p0 $0x1C03  }
0x83: {  	[timem:s3], [sflag:s2] =	dma.local @!p0 [hbm:s0], s1  }
0x84: {  	s0 =	simm.s32 @!p0 $0x3  }
0x85: {  	_ =	swait.ge @!p0 [sflag:s0], s1  }
0x86: {  	s1 =	ssub.s32 @!p0 $0x0, s1;
	[sflag:s0] =	ssyncset.done @!p0 $0x0  }
0x87: {  	[sflag:s0] =	ssyncadd.s32 @!p0 s1  }
0x88: {  	[bflag:$0x3] =	sbarrier.arrive $0xFFFF  }
0x89: {  	_ =	shalt  }

</sc_bundles>
